<compile_context>
chip_gen: v7x
topology: tpu7x:2x2x1
jax: 0.10.2.dev20260603
libtpu: 0.0.44.dev20260713+nightly
codegen_flags: <defaults>
</compile_context>

<pallas_src>
import functools

import jax
import jax.numpy as jnp
from jax import lax
from jax.experimental import pallas as pl
from jax.experimental.pallas import tpu as pltpu
from jax.experimental.pallas import tpu_sc as plsc

DIM = 64
BATCH = 8
SEQ = 1024
TOTAL = BATCH * SEQ

_info = plsc.get_sparse_core_info()
_NC, _NS = 1, _info.num_subcores
_NW = _NC * _NS
_PER_W = TOTAL // _NW
_NCHUNK = 4
_CHUNK = _PER_W // _NCHUNK


@functools.partial(
    pl.kernel,
    mesh=plsc.VectorSubcoreMesh(
        core_axis_name="c", subcore_axis_name="s", num_cores=1
    ),
    out_type=jax.ShapeDtypeStruct((BATCH, SEQ, DIM), jnp.float32),
    scratch_types=[
        pltpu.VMEM((_PER_W,), jnp.int32),
        pltpu.VMEM((_PER_W, DIM), jnp.float32),
        pltpu.SemaphoreType.DMA,
        pltpu.SemaphoreType.DMA,
        pltpu.SemaphoreType.DMA,
    ],
    compiler_params=pltpu.CompilerParams(use_tc_tiling_on_sc=False),
)
def _gather_kernel(idx_hbm, table_hbm, out_hbm, idx_v, rows_v, sem_i, sem_g, sem_w):
    wid = lax.axis_index("s")
    b = wid // (SEQ // _PER_W)
    to = (wid % (SEQ // _PER_W)) * _PER_W
    pltpu.async_copy(
        idx_hbm.at[b, pl.ds(to, _PER_W)], idx_v, sem_i
    ).wait()
    gathers = []
    for c in range(_NCHUNK):
        lo = c * _CHUNK
        gathers.append(
            pltpu.async_copy(
                table_hbm.at[idx_v.at[pl.ds(lo, _CHUNK)]],
                rows_v.at[pl.ds(lo, _CHUNK)],
                sem_g,
            )
        )
    writes = []
    for c in range(_NCHUNK):
        lo = c * _CHUNK
        gathers[c].wait()
        writes.append(
            pltpu.async_copy(
                rows_v.at[pl.ds(lo, _CHUNK)],
                out_hbm.at[b, pl.ds(to + lo, _CHUNK)],
                sem_w,
            )
        )
    for c in range(_NCHUNK):
        writes[c].wait()


@jax.jit
def kernel(embed_id, weight):
    return _gather_kernel(embed_id.astype(jnp.int32), weight)

# --- scband reference (transcript-rebuilt; emitter-appended) ---
"""Pipeline reference for scband-embedding-ema-48412871360807 (READ-ONLY COPY).

The authoritative reference and input builder live on the scoring server;
editing this copy changes nothing except your own understanding.
"""

import jax, jax.numpy as jnp
import numpy as np

NUM_TOKENS = 8192
CODEBOOK_DIM = 64

def l2norm(t):
    return t / jnp.clip(jnp.linalg.norm(t, axis=-1, keepdims=True), 1e-12, None)

def setup_inputs(seed: int = 0) -> dict:
    key = jax.random.key(seed)
    k1, k2 = jax.random.split(key)
    embed_id = jax.random.randint(k1, (8, 1024), 0, NUM_TOKENS, dtype=jnp.int64 if jax.config.jax_enable_x64 else jnp.int32)
    # kmeans_init=False path: weight = l2norm(randn(num_tokens, codebook_dim))
    weight = l2norm(jax.random.normal(k2, (NUM_TOKENS, CODEBOOK_DIM), dtype=jnp.float32))
    return {"embed_id": embed_id, "weight": weight}

def reference(embed_id, weight):
    # F.embedding(embed_id, self.weight) -> gather rows of codebook
    return jnp.take(weight, embed_id, axis=0)

if __name__ == "__main__":
    import jax
    _d = setup_inputs()
    print(jax.jit(kernel)(*tuple(_d.values())))

</pallas_src>

<mosaic_0001>
#map = affine_map<(d0, d1) -> (0, 0)>
#map1 = affine_map<(d0, d1) -> (0, 0, 0)>
module attributes {stable_mosaic.version = 14 : i64} {
  func.func @_gather_kernel(%arg0: i32, %arg1: i32, %arg2: memref<8x1024xi32, #tpu.memory_space<hbm>>, %arg3: memref<8192x64xf32, #tpu.memory_space<hbm>>, %arg4: memref<8x1024x64xf32, #tpu.memory_space<hbm>>, %arg5: memref<512xi32, #tpu.memory_space<vmem>>, %arg6: memref<512x64xf32, #tpu.memory_space<vmem>>, %arg7: memref<!tpu.dma_semaphore, #tpu.memory_space<semaphore_mem>>, %arg8: memref<!tpu.dma_semaphore, #tpu.memory_space<semaphore_mem>>, %arg9: memref<!tpu.dma_semaphore, #tpu.memory_space<semaphore_mem>>) attributes {dimension_semantics = [#tpu.dimension_semantics<core_parallel>, #tpu.dimension_semantics<subcore_parallel>], iteration_bounds = array<i64: 1, 16>, scalar_prefetch = 0 : i64, scratch_operands = 5 : i64, tpu.core_type = #tpu.core_type<sc_vector_subcore>, window_params = [{transform_indices = #map}, {transform_indices = #map}, {transform_indices = #map1}]} {
    %jit3A = arith.constant 2 : i32
    %div3A = arith.divsi %arg1, %jit3A : i32
    %sign3A = arith.constant 0 : i32
    %sign3A_0 = arith.cmpi sgt, %arg1, %sign3A : i32
    %sign3A_1 = arith.extui %sign3A_0 : i1 to i32
    %sign3A_2 = arith.constant 0 : i32
    %sign3A_3 = arith.cmpi slt, %arg1, %sign3A_2 : i32
    %sign3A_4 = arith.extui %sign3A_3 : i1 to i32
    %sign3A_5 = arith.subi %sign3A_1, %sign3A_4 : i32
    %sign3A_6 = arith.constant 0 : i32
    %sign3A_7 = arith.cmpi sgt, %jit3A, %sign3A_6 : i32
    %sign3A_8 = arith.extui %sign3A_7 : i1 to i32
    %sign3A_9 = arith.constant 0 : i32
    %sign3A_10 = arith.cmpi slt, %jit3A, %sign3A_9 : i32
    %sign3A_11 = arith.extui %sign3A_10 : i1 to i32
    %sign3A_12 = arith.subi %sign3A_8, %sign3A_11 : i32
    %ne3A = arith.cmpi ne, %sign3A_5, %sign3A_12 : i32
    %rem3A = arith.remsi %arg1, %jit3A : i32
    %ne3A_13 = arith.constant 0 : i32
    %ne3A_14 = arith.cmpi ne, %rem3A, %ne3A_13 : i32
    %and3A = arith.andi %ne3A, %ne3A_14 : i1
    %sub3A = arith.constant 1 : i32
    %sub3A_15 = arith.subi %div3A, %sub3A : i32
    %select_n3A = arith.select %and3A, %sub3A_15, %div3A : i32
    %jit3A_16 = arith.constant 2 : i32
    %eq3A = arith.constant 0 : i32
    %eq3A_17 = arith.cmpi eq, %jit3A_16, %eq3A : i32
    %jit3A_18 = arith.constant 1 : i32
    %select_n3A_19 = arith.select %eq3A_17, %jit3A_18, %jit3A_16 : i32
    %rem3A_20 = arith.remsi %arg1, %select_n3A_19 : i32
    %ne3A_21 = arith.constant 0 : i32
    %ne3A_22 = arith.cmpi ne, %rem3A_20, %ne3A_21 : i32
    %lt3A = arith.constant 0 : i32
    %lt3A_23 = arith.cmpi slt, %rem3A_20, %lt3A : i32
    %lt3A_24 = arith.constant 0 : i32
    %lt3A_25 = arith.cmpi slt, %select_n3A_19, %lt3A_24 : i32
    %ne3A_26 = arith.xori %lt3A_23, %lt3A_25 : i1
    %and3A_27 = arith.andi %ne3A_26, %ne3A_22 : i1
    %add3A = arith.addi %rem3A_20, %select_n3A_19 : i32
    %select_n3A_28 = arith.select %and3A_27, %add3A, %rem3A_20 : i32
    %mul3A = arith.constant 512 : i32
    %mul3A_29 = arith.muli %select_n3A_28, %mul3A : i32
    %dma_start3A = tpu.memref_slice %arg2[%select_n3A, %mul3A_29] : memref<8x1024xi32, #tpu.memory_space<hbm>> -> memref<1x512xi32, #tpu.memory_space<hbm>>
    %dma_start3A_30 = tpu.memref_squeeze %dma_start3A : memref<1x512xi32, #tpu.memory_space<hbm>> -> memref<512xi32, #tpu.memory_space<hbm>>
    %dma_start3A_31 = tpu.memref_slice %arg2[%select_n3A, %mul3A_29] : memref<8x1024xi32, #tpu.memory_space<hbm>> -> memref<1x512xi32, #tpu.memory_space<hbm>>
    %dma_start3A_32 = tpu.memref_squeeze %dma_start3A_31 : memref<1x512xi32, #tpu.memory_space<hbm>> -> memref<512xi32, #tpu.memory_space<hbm>>
    tpu.enqueue_dma source(%dma_start3A_32 : memref<512xi32, #tpu.memory_space<hbm>>) target(%arg5 : memref<512xi32, #tpu.memory_space<vmem>>) target_semaphore(%arg7 : memref<!tpu.dma_semaphore, #tpu.memory_space<semaphore_mem>>)
    %dma_wait3A = tpu.memref_slice %arg2[%select_n3A, %mul3A_29] : memref<8x1024xi32, #tpu.memory_space<hbm>> -> memref<1x512xi32, #tpu.memory_space<hbm>>
    %dma_wait3A_33 = tpu.memref_squeeze %dma_wait3A : memref<1x512xi32, #tpu.memory_space<hbm>> -> memref<512xi32, #tpu.memory_space<hbm>>
    %dma_wait3A_34 = tpu.memref_slice %arg2[%select_n3A, %mul3A_29] : memref<8x1024xi32, #tpu.memory_space<hbm>> -> memref<1x512xi32, #tpu.memory_space<hbm>>
    %dma_wait3A_35 = tpu.memref_squeeze %dma_wait3A_34 : memref<1x512xi32, #tpu.memory_space<hbm>> -> memref<512xi32, #tpu.memory_space<hbm>>
    tpu.wait_dma2 semaphore(%arg7 : memref<!tpu.dma_semaphore, #tpu.memory_space<semaphore_mem>>) src(%dma_wait3A_35 : memref<512xi32, #tpu.memory_space<hbm>>) dst(%arg5 : memref<512xi32, #tpu.memory_space<vmem>>)
    %dma_start3A_36 = arith.constant 0 : i32
    %dma_start3A_37 = arith.constant 0 : i32
    %dma_start3A_38 = tpu.memref_slice %arg6[%dma_start3A_36, %dma_start3A_37] : memref<512x64xf32, #tpu.memory_space<vmem>> -> memref<128x64xf32, #tpu.memory_space<vmem>>
    %dma_start3A_39 = arith.constant 0 : i32
    %dma_start3A_40 = tpu.memref_slice %arg5[%dma_start3A_39] : memref<512xi32, #tpu.memory_space<vmem>> -> memref<128xi32, #tpu.memory_space<vmem>>
    %dma_start3A_41 = arith.constant 0 : i32
    %dma_start3A_42 = arith.constant 0 : i32
    %dma_start3A_43 = tpu.memref_slice %arg3[%dma_start3A_41, %dma_start3A_42] : memref<8192x64xf32, #tpu.memory_space<hbm>> -> memref<8192x64xf32, #tpu.memory_space<hbm>>
    tpu.enqueue_indirect_dma source(%dma_start3A_43 : memref<8192x64xf32, #tpu.memory_space<hbm>>) target(%dma_start3A_38 : memref<128x64xf32, #tpu.memory_space<vmem>>) offsets(%dma_start3A_40 : memref<128xi32, #tpu.memory_space<vmem>>) semaphore(%arg8 : memref<!tpu.dma_semaphore, #tpu.memory_space<semaphore_mem>>)
    %dma_start3A_44 = arith.constant 128 : i32
    %dma_start3A_45 = arith.constant 0 : i32
    %dma_start3A_46 = tpu.memref_slice %arg6[%dma_start3A_44, %dma_start3A_45] : memref<512x64xf32, #tpu.memory_space<vmem>> -> memref<128x64xf32, #tpu.memory_space<vmem>>
    %dma_start3A_47 = arith.constant 128 : i32
    %dma_start3A_48 = tpu.memref_slice %arg5[%dma_start3A_47] : memref<512xi32, #tpu.memory_space<vmem>> -> memref<128xi32, #tpu.memory_space<vmem>>
    %dma_start3A_49 = arith.constant 0 : i32
    %dma_start3A_50 = arith.constant 0 : i32
    %dma_start3A_51 = tpu.memref_slice %arg3[%dma_start3A_49, %dma_start3A_50] : memref<8192x64xf32, #tpu.memory_space<hbm>> -> memref<8192x64xf32, #tpu.memory_space<hbm>>
    tpu.enqueue_indirect_dma source(%dma_start3A_51 : memref<8192x64xf32, #tpu.memory_space<hbm>>) target(%dma_start3A_46 : memref<128x64xf32, #tpu.memory_space<vmem>>) offsets(%dma_start3A_48 : memref<128xi32, #tpu.memory_space<vmem>>) semaphore(%arg8 : memref<!tpu.dma_semaphore, #tpu.memory_space<semaphore_mem>>)
    %dma_start3A_52 = arith.constant 256 : i32
    %dma_start3A_53 = arith.constant 0 : i32
    %dma_start3A_54 = tpu.memref_slice %arg6[%dma_start3A_52, %dma_start3A_53] : memref<512x64xf32, #tpu.memory_space<vmem>> -> memref<128x64xf32, #tpu.memory_space<vmem>>
    %dma_start3A_55 = arith.constant 256 : i32
    %dma_start3A_56 = tpu.memref_slice %arg5[%dma_start3A_55] : memref<512xi32, #tpu.memory_space<vmem>> -> memref<128xi32, #tpu.memory_space<vmem>>
    %dma_start3A_57 = arith.constant 0 : i32
    %dma_start3A_58 = arith.constant 0 : i32
    %dma_start3A_59 = tpu.memref_slice %arg3[%dma_start3A_57, %dma_start3A_58] : memref<8192x64xf32, #tpu.memory_space<hbm>> -> memref<8192x64xf32, #tpu.memory_space<hbm>>
    tpu.enqueue_indirect_dma source(%dma_start3A_59 : memref<8192x64xf32, #tpu.memory_space<hbm>>) target(%dma_start3A_54 : memref<128x64xf32, #tpu.memory_space<vmem>>) offsets(%dma_start3A_56 : memref<128xi32, #tpu.memory_space<vmem>>) semaphore(%arg8 : memref<!tpu.dma_semaphore, #tpu.memory_space<semaphore_mem>>)
    %dma_start3A_60 = arith.constant 384 : i32
    %dma_start3A_61 = arith.constant 0 : i32
    %dma_start3A_62 = tpu.memref_slice %arg6[%dma_start3A_60, %dma_start3A_61] : memref<512x64xf32, #tpu.memory_space<vmem>> -> memref<128x64xf32, #tpu.memory_space<vmem>>
    %dma_start3A_63 = arith.constant 384 : i32
    %dma_start3A_64 = tpu.memref_slice %arg5[%dma_start3A_63] : memref<512xi32, #tpu.memory_space<vmem>> -> memref<128xi32, #tpu.memory_space<vmem>>
    %dma_start3A_65 = arith.constant 0 : i32
    %dma_start3A_66 = arith.constant 0 : i32
    %dma_start3A_67 = tpu.memref_slice %arg3[%dma_start3A_65, %dma_start3A_66] : memref<8192x64xf32, #tpu.memory_space<hbm>> -> memref<8192x64xf32, #tpu.memory_space<hbm>>
    tpu.enqueue_indirect_dma source(%dma_start3A_67 : memref<8192x64xf32, #tpu.memory_space<hbm>>) target(%dma_start3A_62 : memref<128x64xf32, #tpu.memory_space<vmem>>) offsets(%dma_start3A_64 : memref<128xi32, #tpu.memory_space<vmem>>) semaphore(%arg8 : memref<!tpu.dma_semaphore, #tpu.memory_space<semaphore_mem>>)
    %dma_wait3A_68 = arith.constant 0 : i32
    %dma_wait3A_69 = arith.constant 0 : i32
    %dma_wait3A_70 = tpu.memref_slice %arg6[%dma_wait3A_68, %dma_wait3A_69] : memref<512x64xf32, #tpu.memory_space<vmem>> -> memref<128x64xf32, #tpu.memory_space<vmem>>
    %dma_wait3A_71 = arith.constant 0 : i32
    %dma_wait3A_72 = tpu.memref_slice %arg5[%dma_wait3A_71] : memref<512xi32, #tpu.memory_space<vmem>> -> memref<128xi32, #tpu.memory_space<vmem>>
    %dma_wait3A_73 = arith.constant 0 : i32
    %dma_wait3A_74 = arith.constant 0 : i32
    %dma_wait3A_75 = tpu.memref_slice %arg3[%dma_wait3A_73, %dma_wait3A_74] : memref<8192x64xf32, #tpu.memory_space<hbm>> -> memref<8192x64xf32, #tpu.memory_space<hbm>>
    tpu.wait_indirect_dma semaphore(%arg8 : memref<!tpu.dma_semaphore, #tpu.memory_space<semaphore_mem>>) src(%dma_wait3A_75 : memref<8192x64xf32, #tpu.memory_space<hbm>>) dst(%dma_wait3A_70 : memref<128x64xf32, #tpu.memory_space<vmem>>)
    %add3A_76 = arith.constant 0 : i32
    %add3A_77 = arith.addi %mul3A_29, %add3A_76 : i32
    %dma_start3A_78 = arith.constant 0 : i32
    %dma_start3A_79 = arith.constant 0 : i32
    %dma_start3A_80 = tpu.memref_slice %arg6[%dma_start3A_78, %dma_start3A_79] : memref<512x64xf32, #tpu.memory_space<vmem>> -> memref<128x64xf32, #tpu.memory_space<vmem>>
    %dma_start3A_81 = arith.constant 0 : i32
    %dma_start3A_82 = tpu.memref_slice %arg4[%select_n3A, %add3A_77, %dma_start3A_81] : memref<8x1024x64xf32, #tpu.memory_space<hbm>> -> memref<1x128x64xf32, #tpu.memory_space<hbm>>
    %dma_start3A_83 = tpu.memref_squeeze %dma_start3A_82 : memref<1x128x64xf32, #tpu.memory_space<hbm>> -> memref<128x64xf32, #tpu.memory_space<hbm>>
    %dma_start3A_84 = arith.constant 0 : i32
    %dma_start3A_85 = tpu.memref_slice %arg4[%select_n3A, %add3A_77, %dma_start3A_84] : memref<8x1024x64xf32, #tpu.memory_space<hbm>> -> memref<1x128x64xf32, #tpu.memory_space<hbm>>
    %dma_start3A_86 = tpu.memref_squeeze %dma_start3A_85 : memref<1x128x64xf32, #tpu.memory_space<hbm>> -> memref<128x64xf32, #tpu.memory_space<hbm>>
    %dma_start3A_87 = arith.constant 0 : i32
    %dma_start3A_88 = arith.constant 0 : i32
    %dma_start3A_89 = tpu.memref_slice %arg6[%dma_start3A_87, %dma_start3A_88] : memref<512x64xf32, #tpu.memory_space<vmem>> -> memref<128x64xf32, #tpu.memory_space<vmem>>
    tpu.enqueue_dma source(%dma_start3A_89 : memref<128x64xf32, #tpu.memory_space<vmem>>) target(%dma_start3A_86 : memref<128x64xf32, #tpu.memory_space<hbm>>) target_semaphore(%arg9 : memref<!tpu.dma_semaphore, #tpu.memory_space<semaphore_mem>>)
    %dma_wait3A_90 = arith.constant 128 : i32
    %dma_wait3A_91 = arith.constant 0 : i32
    %dma_wait3A_92 = tpu.memref_slice %arg6[%dma_wait3A_90, %dma_wait3A_91] : memref<512x64xf32, #tpu.memory_space<vmem>> -> memref<128x64xf32, #tpu.memory_space<vmem>>
    %dma_wait3A_93 = arith.constant 128 : i32
    %dma_wait3A_94 = tpu.memref_slice %arg5[%dma_wait3A_93] : memref<512xi32, #tpu.memory_space<vmem>> -> memref<128xi32, #tpu.memory_space<vmem>>
    %dma_wait3A_95 = arith.constant 0 : i32
    %dma_wait3A_96 = arith.constant 0 : i32
    %dma_wait3A_97 = tpu.memref_slice %arg3[%dma_wait3A_95, %dma_wait3A_96] : memref<8192x64xf32, #tpu.memory_space<hbm>> -> memref<8192x64xf32, #tpu.memory_space<hbm>>
    tpu.wait_indirect_dma semaphore(%arg8 : memref<!tpu.dma_semaphore, #tpu.memory_space<semaphore_mem>>) src(%dma_wait3A_97 : memref<8192x64xf32, #tpu.memory_space<hbm>>) dst(%dma_wait3A_92 : memref<128x64xf32, #tpu.memory_space<vmem>>)
    %add3A_98 = arith.constant 128 : i32
    %add3A_99 = arith.addi %mul3A_29, %add3A_98 : i32
    %dma_start3A_100 = arith.constant 128 : i32
    %dma_start3A_101 = arith.constant 0 : i32
    %dma_start3A_102 = tpu.memref_slice %arg6[%dma_start3A_100, %dma_start3A_101] : memref<512x64xf32, #tpu.memory_space<vmem>> -> memref<128x64xf32, #tpu.memory_space<vmem>>
    %dma_start3A_103 = arith.constant 0 : i32
    %dma_start3A_104 = tpu.memref_slice %arg4[%select_n3A, %add3A_99, %dma_start3A_103] : memref<8x1024x64xf32, #tpu.memory_space<hbm>> -> memref<1x128x64xf32, #tpu.memory_space<hbm>>
    %dma_start3A_105 = tpu.memref_squeeze %dma_start3A_104 : memref<1x128x64xf32, #tpu.memory_space<hbm>> -> memref<128x64xf32, #tpu.memory_space<hbm>>
    %dma_start3A_106 = arith.constant 0 : i32
    %dma_start3A_107 = tpu.memref_slice %arg4[%select_n3A, %add3A_99, %dma_start3A_106] : memref<8x1024x64xf32, #tpu.memory_space<hbm>> -> memref<1x128x64xf32, #tpu.memory_space<hbm>>
    %dma_start3A_108 = tpu.memref_squeeze %dma_start3A_107 : memref<1x128x64xf32, #tpu.memory_space<hbm>> -> memref<128x64xf32, #tpu.memory_space<hbm>>
    %dma_start3A_109 = arith.constant 128 : i32
    %dma_start3A_110 = arith.constant 0 : i32
    %dma_start3A_111 = tpu.memref_slice %arg6[%dma_start3A_109, %dma_start3A_110] : memref<512x64xf32, #tpu.memory_space<vmem>> -> memref<128x64xf32, #tpu.memory_space<vmem>>
    tpu.enqueue_dma source(%dma_start3A_111 : memref<128x64xf32, #tpu.memory_space<vmem>>) target(%dma_start3A_108 : memref<128x64xf32, #tpu.memory_space<hbm>>) target_semaphore(%arg9 : memref<!tpu.dma_semaphore, #tpu.memory_space<semaphore_mem>>)
    %dma_wait3A_112 = arith.constant 256 : i32
    %dma_wait3A_113 = arith.constant 0 : i32
    %dma_wait3A_114 = tpu.memref_slice %arg6[%dma_wait3A_112, %dma_wait3A_113] : memref<512x64xf32, #tpu.memory_space<vmem>> -> memref<128x64xf32, #tpu.memory_space<vmem>>
    %dma_wait3A_115 = arith.constant 256 : i32
    %dma_wait3A_116 = tpu.memref_slice %arg5[%dma_wait3A_115] : memref<512xi32, #tpu.memory_space<vmem>> -> memref<128xi32, #tpu.memory_space<vmem>>
    %dma_wait3A_117 = arith.constant 0 : i32
    %dma_wait3A_118 = arith.constant 0 : i32
    %dma_wait3A_119 = tpu.memref_slice %arg3[%dma_wait3A_117, %dma_wait3A_118] : memref<8192x64xf32, #tpu.memory_space<hbm>> -> memref<8192x64xf32, #tpu.memory_space<hbm>>
    tpu.wait_indirect_dma semaphore(%arg8 : memref<!tpu.dma_semaphore, #tpu.memory_space<semaphore_mem>>) src(%dma_wait3A_119 : memref<8192x64xf32, #tpu.memory_space<hbm>>) dst(%dma_wait3A_114 : memref<128x64xf32, #tpu.memory_space<vmem>>)
    %add3A_120 = arith.constant 256 : i32
    %add3A_121 = arith.addi %mul3A_29, %add3A_120 : i32
    %dma_start3A_122 = arith.constant 256 : i32
    %dma_start3A_123 = arith.constant 0 : i32
    %dma_start3A_124 = tpu.memref_slice %arg6[%dma_start3A_122, %dma_start3A_123] : memref<512x64xf32, #tpu.memory_space<vmem>> -> memref<128x64xf32, #tpu.memory_space<vmem>>
    %dma_start3A_125 = arith.constant 0 : i32
    %dma_start3A_126 = tpu.memref_slice %arg4[%select_n3A, %add3A_121, %dma_start3A_125] : memref<8x1024x64xf32, #tpu.memory_space<hbm>> -> memref<1x128x64xf32, #tpu.memory_space<hbm>>
    %dma_start3A_127 = tpu.memref_squeeze %dma_start3A_126 : memref<1x128x64xf32, #tpu.memory_space<hbm>> -> memref<128x64xf32, #tpu.memory_space<hbm>>
    %dma_start3A_128 = arith.constant 0 : i32
    %dma_start3A_129 = tpu.memref_slice %arg4[%select_n3A, %add3A_121, %dma_start3A_128] : memref<8x1024x64xf32, #tpu.memory_space<hbm>> -> memref<1x128x64xf32, #tpu.memory_space<hbm>>
    %dma_start3A_130 = tpu.memref_squeeze %dma_start3A_129 : memref<1x128x64xf32, #tpu.memory_space<hbm>> -> memref<128x64xf32, #tpu.memory_space<hbm>>
    %dma_start3A_131 = arith.constant 256 : i32
    %dma_start3A_132 = arith.constant 0 : i32
    %dma_start3A_133 = tpu.memref_slice %arg6[%dma_start3A_131, %dma_start3A_132] : memref<512x64xf32, #tpu.memory_space<vmem>> -> memref<128x64xf32, #tpu.memory_space<vmem>>
    tpu.enqueue_dma source(%dma_start3A_133 : memref<128x64xf32, #tpu.memory_space<vmem>>) target(%dma_start3A_130 : memref<128x64xf32, #tpu.memory_space<hbm>>) target_semaphore(%arg9 : memref<!tpu.dma_semaphore, #tpu.memory_space<semaphore_mem>>)
    %dma_wait3A_134 = arith.constant 384 : i32
    %dma_wait3A_135 = arith.constant 0 : i32
    %dma_wait3A_136 = tpu.memref_slice %arg6[%dma_wait3A_134, %dma_wait3A_135] : memref<512x64xf32, #tpu.memory_space<vmem>> -> memref<128x64xf32, #tpu.memory_space<vmem>>
    %dma_wait3A_137 = arith.constant 384 : i32
    %dma_wait3A_138 = tpu.memref_slice %arg5[%dma_wait3A_137] : memref<512xi32, #tpu.memory_space<vmem>> -> memref<128xi32, #tpu.memory_space<vmem>>
    %dma_wait3A_139 = arith.constant 0 : i32
    %dma_wait3A_140 = arith.constant 0 : i32
    %dma_wait3A_141 = tpu.memref_slice %arg3[%dma_wait3A_139, %dma_wait3A_140] : memref<8192x64xf32, #tpu.memory_space<hbm>> -> memref<8192x64xf32, #tpu.memory_space<hbm>>
    tpu.wait_indirect_dma semaphore(%arg8 : memref<!tpu.dma_semaphore, #tpu.memory_space<semaphore_mem>>) src(%dma_wait3A_141 : memref<8192x64xf32, #tpu.memory_space<hbm>>) dst(%dma_wait3A_136 : memref<128x64xf32, #tpu.memory_space<vmem>>)
    %add3A_142 = arith.constant 384 : i32
    %add3A_143 = arith.addi %mul3A_29, %add3A_142 : i32
    %dma_start3A_144 = arith.constant 384 : i32
    %dma_start3A_145 = arith.constant 0 : i32
    %dma_start3A_146 = tpu.memref_slice %arg6[%dma_start3A_144, %dma_start3A_145] : memref<512x64xf32, #tpu.memory_space<vmem>> -> memref<128x64xf32, #tpu.memory_space<vmem>>
    %dma_start3A_147 = arith.constant 0 : i32
    %dma_start3A_148 = tpu.memref_slice %arg4[%select_n3A, %add3A_143, %dma_start3A_147] : memref<8x1024x64xf32, #tpu.memory_space<hbm>> -> memref<1x128x64xf32, #tpu.memory_space<hbm>>
    %dma_start3A_149 = tpu.memref_squeeze %dma_start3A_148 : memref<1x128x64xf32, #tpu.memory_space<hbm>> -> memref<128x64xf32, #tpu.memory_space<hbm>>
    %dma_start3A_150 = arith.constant 0 : i32
    %dma_start3A_151 = tpu.memref_slice %arg4[%select_n3A, %add3A_143, %dma_start3A_150] : memref<8x1024x64xf32, #tpu.memory_space<hbm>> -> memref<1x128x64xf32, #tpu.memory_space<hbm>>
    %dma_start3A_152 = tpu.memref_squeeze %dma_start3A_151 : memref<1x128x64xf32, #tpu.memory_space<hbm>> -> memref<128x64xf32, #tpu.memory_space<hbm>>
    %dma_start3A_153 = arith.constant 384 : i32
    %dma_start3A_154 = arith.constant 0 : i32
    %dma_start3A_155 = tpu.memref_slice %arg6[%dma_start3A_153, %dma_start3A_154] : memref<512x64xf32, #tpu.memory_space<vmem>> -> memref<128x64xf32, #tpu.memory_space<vmem>>
    tpu.enqueue_dma source(%dma_start3A_155 : memref<128x64xf32, #tpu.memory_space<vmem>>) target(%dma_start3A_152 : memref<128x64xf32, #tpu.memory_space<hbm>>) target_semaphore(%arg9 : memref<!tpu.dma_semaphore, #tpu.memory_space<semaphore_mem>>)
    %dma_wait3A_156 = arith.constant 0 : i32
    %dma_wait3A_157 = arith.constant 0 : i32
    %dma_wait3A_158 = tpu.memref_slice %arg6[%dma_wait3A_156, %dma_wait3A_157] : memref<512x64xf32, #tpu.memory_space<vmem>> -> memref<128x64xf32, #tpu.memory_space<vmem>>
    %dma_wait3A_159 = arith.constant 0 : i32
    %dma_wait3A_160 = tpu.memref_slice %arg4[%select_n3A, %add3A_77, %dma_wait3A_159] : memref<8x1024x64xf32, #tpu.memory_space<hbm>> -> memref<1x128x64xf32, #tpu.memory_space<hbm>>
    %dma_wait3A_161 = tpu.memref_squeeze %dma_wait3A_160 : memref<1x128x64xf32, #tpu.memory_space<hbm>> -> memref<128x64xf32, #tpu.memory_space<hbm>>
    %dma_wait3A_162 = arith.constant 0 : i32
    %dma_wait3A_163 = tpu.memref_slice %arg4[%select_n3A, %add3A_77, %dma_wait3A_162] : memref<8x1024x64xf32, #tpu.memory_space<hbm>> -> memref<1x128x64xf32, #tpu.memory_space<hbm>>
    %dma_wait3A_164 = tpu.memref_squeeze %dma_wait3A_163 : memref<1x128x64xf32, #tpu.memory_space<hbm>> -> memref<128x64xf32, #tpu.memory_space<hbm>>
    %dma_wait3A_165 = arith.constant 0 : i32
    %dma_wait3A_166 = arith.constant 0 : i32
    %dma_wait3A_167 = tpu.memref_slice %arg6[%dma_wait3A_165, %dma_wait3A_166] : memref<512x64xf32, #tpu.memory_space<vmem>> -> memref<128x64xf32, #tpu.memory_space<vmem>>
    tpu.wait_dma2 semaphore(%arg9 : memref<!tpu.dma_semaphore, #tpu.memory_space<semaphore_mem>>) src(%dma_wait3A_167 : memref<128x64xf32, #tpu.memory_space<vmem>>) dst(%dma_wait3A_164 : memref<128x64xf32, #tpu.memory_space<hbm>>)
    %dma_wait3A_168 = arith.constant 128 : i32
    %dma_wait3A_169 = arith.constant 0 : i32
    %dma_wait3A_170 = tpu.memref_slice %arg6[%dma_wait3A_168, %dma_wait3A_169] : memref<512x64xf32, #tpu.memory_space<vmem>> -> memref<128x64xf32, #tpu.memory_space<vmem>>
    %dma_wait3A_171 = arith.constant 0 : i32
    %dma_wait3A_172 = tpu.memref_slice %arg4[%select_n3A, %add3A_99, %dma_wait3A_171] : memref<8x1024x64xf32, #tpu.memory_space<hbm>> -> memref<1x128x64xf32, #tpu.memory_space<hbm>>
    %dma_wait3A_173 = tpu.memref_squeeze %dma_wait3A_172 : memref<1x128x64xf32, #tpu.memory_space<hbm>> -> memref<128x64xf32, #tpu.memory_space<hbm>>
    %dma_wait3A_174 = arith.constant 0 : i32
    %dma_wait3A_175 = tpu.memref_slice %arg4[%select_n3A, %add3A_99, %dma_wait3A_174] : memref<8x1024x64xf32, #tpu.memory_space<hbm>> -> memref<1x128x64xf32, #tpu.memory_space<hbm>>
    %dma_wait3A_176 = tpu.memref_squeeze %dma_wait3A_175 : memref<1x128x64xf32, #tpu.memory_space<hbm>> -> memref<128x64xf32, #tpu.memory_space<hbm>>
    %dma_wait3A_177 = arith.constant 128 : i32
    %dma_wait3A_178 = arith.constant 0 : i32
    %dma_wait3A_179 = tpu.memref_slice %arg6[%dma_wait3A_177, %dma_wait3A_178] : memref<512x64xf32, #tpu.memory_space<vmem>> -> memref<128x64xf32, #tpu.memory_space<vmem>>
    tpu.wait_dma2 semaphore(%arg9 : memref<!tpu.dma_semaphore, #tpu.memory_space<semaphore_mem>>) src(%dma_wait3A_179 : memref<128x64xf32, #tpu.memory_space<vmem>>) dst(%dma_wait3A_176 : memref<128x64xf32, #tpu.memory_space<hbm>>)
    %dma_wait3A_180 = arith.constant 256 : i32
    %dma_wait3A_181 = arith.constant 0 : i32
    %dma_wait3A_182 = tpu.memref_slice %arg6[%dma_wait3A_180, %dma_wait3A_181] : memref<512x64xf32, #tpu.memory_space<vmem>> -> memref<128x64xf32, #tpu.memory_space<vmem>>
    %dma_wait3A_183 = arith.constant 0 : i32
    %dma_wait3A_184 = tpu.memref_slice %arg4[%select_n3A, %add3A_121, %dma_wait3A_183] : memref<8x1024x64xf32, #tpu.memory_space<hbm>> -> memref<1x128x64xf32, #tpu.memory_space<hbm>>
    %dma_wait3A_185 = tpu.memref_squeeze %dma_wait3A_184 : memref<1x128x64xf32, #tpu.memory_space<hbm>> -> memref<128x64xf32, #tpu.memory_space<hbm>>
    %dma_wait3A_186 = arith.constant 0 : i32
    %dma_wait3A_187 = tpu.memref_slice %arg4[%select_n3A, %add3A_121, %dma_wait3A_186] : memref<8x1024x64xf32, #tpu.memory_space<hbm>> -> memref<1x128x64xf32, #tpu.memory_space<hbm>>
    %dma_wait3A_188 = tpu.memref_squeeze %dma_wait3A_187 : memref<1x128x64xf32, #tpu.memory_space<hbm>> -> memref<128x64xf32, #tpu.memory_space<hbm>>
    %dma_wait3A_189 = arith.constant 256 : i32
    %dma_wait3A_190 = arith.constant 0 : i32
    %dma_wait3A_191 = tpu.memref_slice %arg6[%dma_wait3A_189, %dma_wait3A_190] : memref<512x64xf32, #tpu.memory_space<vmem>> -> memref<128x64xf32, #tpu.memory_space<vmem>>
    tpu.wait_dma2 semaphore(%arg9 : memref<!tpu.dma_semaphore, #tpu.memory_space<semaphore_mem>>) src(%dma_wait3A_191 : memref<128x64xf32, #tpu.memory_space<vmem>>) dst(%dma_wait3A_188 : memref<128x64xf32, #tpu.memory_space<hbm>>)
    %dma_wait3A_192 = arith.constant 384 : i32
    %dma_wait3A_193 = arith.constant 0 : i32
    %dma_wait3A_194 = tpu.memref_slice %arg6[%dma_wait3A_192, %dma_wait3A_193] : memref<512x64xf32, #tpu.memory_space<vmem>> -> memref<128x64xf32, #tpu.memory_space<vmem>>
    %dma_wait3A_195 = arith.constant 0 : i32
    %dma_wait3A_196 = tpu.memref_slice %arg4[%select_n3A, %add3A_143, %dma_wait3A_195] : memref<8x1024x64xf32, #tpu.memory_space<hbm>> -> memref<1x128x64xf32, #tpu.memory_space<hbm>>
    %dma_wait3A_197 = tpu.memref_squeeze %dma_wait3A_196 : memref<1x128x64xf32, #tpu.memory_space<hbm>> -> memref<128x64xf32, #tpu.memory_space<hbm>>
    %dma_wait3A_198 = arith.constant 0 : i32
    %dma_wait3A_199 = tpu.memref_slice %arg4[%select_n3A, %add3A_143, %dma_wait3A_198] : memref<8x1024x64xf32, #tpu.memory_space<hbm>> -> memref<1x128x64xf32, #tpu.memory_space<hbm>>
    %dma_wait3A_200 = tpu.memref_squeeze %dma_wait3A_199 : memref<1x128x64xf32, #tpu.memory_space<hbm>> -> memref<128x64xf32, #tpu.memory_space<hbm>>
    %dma_wait3A_201 = arith.constant 384 : i32
    %dma_wait3A_202 = arith.constant 0 : i32
    %dma_wait3A_203 = tpu.memref_slice %arg6[%dma_wait3A_201, %dma_wait3A_202] : memref<512x64xf32, #tpu.memory_space<vmem>> -> memref<128x64xf32, #tpu.memory_space<vmem>>
    tpu.wait_dma2 semaphore(%arg9 : memref<!tpu.dma_semaphore, #tpu.memory_space<semaphore_mem>>) src(%dma_wait3A_203 : memref<128x64xf32, #tpu.memory_space<vmem>>) dst(%dma_wait3A_200 : memref<128x64xf32, #tpu.memory_space<hbm>>)
    return
  }
}

</mosaic_0001>

<sc_bundles>
// kernel: kernel.3.cloned.1.call-start
scs
__scs_entry_jumppad:
0x0: {  	(pc) =	sbr.rel $0x88, $3  }
0x1: {  	(tag) =	ssettag $0x0;
	lr =	simm.s32 $0x1  }
0x2: {  	[smem:$0x3F9F] =	sst lr;
	_ =	strace $0xD0000000  }
0x3: {  	_ = 	snop  }
0x4: {  	_ = 	snop  }
0x5: {  	_ = 	snop  }
0x6: {  	_ = 	snop  }
0x7: {  	_ = 	snop  }
__scs_overlays_trampoline_lowered:
0x8: {  	[smem:$0x3FAE] =	sst s0  }
0x9: {  	[smem:$0x3FAF] =	sst s1  }
0xa: {  	[smem:$0x3FB0] =	sst s2  }
0xb: {  	[smem:$0x3FB1] =	sst s3  }
0xc: {  	[smem:$0x3FB2] =	sst s4  }
0xd: {  	[smem:$0x3FB3] =	sst s5  }
0xe: {  	[smem:$0x3FB4] =	sst s6  }
0xf: {  	[smem:$0x3FB5] =	sst s7  }
0x10: {  	[smem:$0x3FB6] =	sst s8  }
0x11: {  	[smem:$0x3FB7] =	sst s9;
	s0 =	simm.s32 @!p0 $0x0  }
0x12: {  	s1 =	sld [smem:$0x3F9D];
	s0 =	simm.s32 @p0 $0x1  }
0x13: {  	[smem:$0x3FB8] =	sst s0;
	s0 =	simm.s32 @!p1 $0x0  }
0x14: {  	s2 =	sld [smem:$0x3F9C];
	s0 =	simm.s32 @p1 $0x1  }
0x15: {  	[smem:$0x3FB9] =	sst s0;
	s0 =	simm.s32 @!p2 $0x0  }
0x16: {  	s3 =	sld [smem:$0x3FDB];
	s0 =	simm.s32 @p2 $0x1  }
0x17: {  	s4 =	simm.s32 $0x1BF5;
	[smem:$0x3FBB] =	sst s0  }
0x18: {  	s0 =	sld [smem:$0x3F9E];
	_ =	swait.ge [sflag:s4], $0x0  }
0x19: {  	s7 =	sld [smem:$0x3F9F]  }
0x1a: {  	s8 =	sadd.s32 $0xFFFFE003, lr  }
0x1b: {  	s9 =	sadd.s32 $0xFFFFFEF7, lr;
	s5 =	simm.s32 $0xFFFFFFFF;
	p2 =	slt.u32 s8, $0xFFFFF086  }
0x1c: {  	p1 =	slt.u32 s9, $0xF7A;
	s5 =	simm.s32 @!p2 $0x0  }
0x1d: {  	s5 =	simm.s32 @p1 $0x1;
	p0 =	seq.s32 s7, s2  }
0x1e: {  	s7 =	smul.u32 @!p0 $0xF7A, s2;
	p2 =	seq.s32 @!p0 s5, $0x0  }
0x1f: {  	s9 =	smul.u32 $0xF7A, s1;
	s8 =	simm.s32 @!p0 $0x1BF5;
	p2 =	por !p2, p0  }
0x20: {  	[sflag:s8] =	ssyncset.s32 @!p0 $0xFFFFF086;
	s6 =	sadd.s32 @!p0 s3, s7;
	s7 =	simm.s32 @!p0 $0x108  }
0x21: {  	s3 =	sadd.s32 s3, s9;
	s6 =	sadd.s32 @!p0 $0x88, s6;
	s7 =	simm.s32 @p2 $0x1082  }
0x22: {  	[simem:s7], [sflag:s8] =	dma.local @!p0 [hbm:s6], $0xF7A  }
0x23: {  	s9 =	sor.u32 $0xD0000000, s2;
	s6 =	simm.s32 $0x108;
	_ =	swait.ge @!p0 [sflag:s8], $0x0  }
0x24: {  	s3 =	sadd.s32 $0x88, s3;
	s6 =	simm.s32 @!p1 $0x1082;
	[sflag:s4] =	ssyncset.s32 $0xFFFFF086  }
0x25: {  	[simem:s6], [sflag:s4] =	dma.local [hbm:s3], $0xF7A  }
0x26: {  	[smem:$0x3F9F] =	sst s1;
	(tag) =	ssettag s2;
	_ =	strace s9  }
0x27: {  	s1 =	sld [smem:$0x3FAF]  }
0x28: {  	s2 =	sld [smem:$0x3FB0]  }
0x29: {  	s4 =	sld [smem:$0x3FB2]  }
0x2a: {  	p0 =	seq.s32 s5, $0x0;
	s5 =	sld [smem:$0x3FB3]  }
0x2b: {  	s6 =	sld [smem:$0x3FB4]  }
0x2c: {  	s7 =	sld [smem:$0x3FB5]  }
0x2d: {  	s3 =	simm.s32 $0x108;
	s8 =	sld [smem:$0x3FB6]  }
0x2e: {  	s3 =	simm.s32 @!p0 $0x1082;
	s9 =	sld [smem:$0x3FB7]  }
0x2f: {  	lr =	sadd.s32 s0, s3;
	s0 =	sld [smem:$0x3FAE]  }
0x30: {  	s3 =	sld [smem:$0x3FB1]  }
0x31: {  	[smem:$0x3FBA] =	sst s10  }
0x32: {  	s10 =	sld [smem:$0x3FB8];
	_ =	sdelay $0x3  }
0x33: {  	p0 =	seq.s32 s10, $0x1;
	s10 =	sld [smem:$0x3FBA];
	_ =	sdelay $0x3  }
0x34: {  	[smem:$0x3FBA] =	sst s10  }
0x35: {  	s10 =	sld [smem:$0x3FB9];
	_ =	sdelay $0x3  }
0x36: {  	p1 =	seq.s32 s10, $0x1;
	s10 =	sld [smem:$0x3FBA];
	_ =	sdelay $0x3  }
0x37: {  	[smem:$0x3FBA] =	sst s10  }
0x38: {  	s10 =	sld [smem:$0x3FBB]  }
0x39: {  	_ = 	snop;
	(pc) =	sbr.ind lr, $3  }
0x3a: {  	_ = 	snop  }
0x3b: {  	_ = 	snop  }
0x3c: {  	p2 =	seq.s32 s10, $0x1;
	s10 =	sld [smem:$0x3FBA]  }
0x3d: {  	_ =	shalt  }
0x3e: {  	_ =	shalt  }
0x3f: {  	_ =	shalt  }
0x40: {  	_ =	shalt  }
0x41: {  	_ =	shalt  }
0x42: {  	_ =	shalt  }
0x43: {  	_ =	shalt  }
0x44: {  	_ =	shalt  }
0x45: {  	_ =	shalt  }
0x46: {  	_ =	shalt  }
0x47: {  	_ =	shalt  }
0x48: {  	_ =	shalt  }
0x49: {  	_ =	shalt  }
0x4a: {  	_ =	shalt  }
0x4b: {  	_ =	shalt  }
0x4c: {  	_ =	shalt  }
0x4d: {  	_ =	shalt  }
0x4e: {  	_ =	shalt  }
0x4f: {  	_ =	shalt  }
0x50: {  	_ =	shalt  }
0x51: {  	_ =	shalt  }
0x52: {  	_ =	shalt  }
0x53: {  	_ =	shalt  }
0x54: {  	_ =	shalt  }
0x55: {  	_ =	shalt  }
0x56: {  	_ =	shalt  }
0x57: {  	_ =	shalt  }
0x58: {  	_ =	shalt  }
0x59: {  	_ =	shalt  }
0x5a: {  	_ =	shalt  }
0x5b: {  	_ =	shalt  }
0x5c: {  	_ =	shalt  }
0x5d: {  	_ =	shalt  }
0x5e: {  	_ =	shalt  }
0x5f: {  	_ =	shalt  }
0x60: {  	_ =	shalt  }
0x61: {  	_ =	shalt  }
0x62: {  	_ =	shalt  }
0x63: {  	_ =	shalt  }
0x64: {  	_ =	shalt  }
0x65: {  	_ =	shalt  }
0x66: {  	_ =	shalt  }
0x67: {  	_ =	shalt  }
0x68: {  	_ =	shalt  }
0x69: {  	_ =	shalt  }
0x6a: {  	_ =	shalt  }
0x6b: {  	_ =	shalt  }
0x6c: {  	_ =	shalt  }
0x6d: {  	_ =	shalt  }
0x6e: {  	_ =	shalt  }
0x6f: {  	_ =	shalt  }
0x70: {  	_ =	shalt  }
0x71: {  	_ =	shalt  }
0x72: {  	_ =	shalt  }
0x73: {  	_ =	shalt  }
0x74: {  	_ =	shalt  }
0x75: {  	_ =	shalt  }
0x76: {  	_ =	shalt  }
0x77: {  	_ =	shalt  }
0x78: {  	_ =	shalt  }
0x79: {  	_ =	shalt  }
0x7a: {  	_ =	shalt  }
0x7b: {  	_ =	shalt  }
0x7c: {  	_ =	shalt  }
0x7d: {  	_ =	shalt  }
0x7e: {  	_ =	shalt  }
0x7f: {  	_ =	shalt  }
0x80: {  	_ =	shalt  }
0x81: {  	_ =	shalt  }
0x82: {  	_ =	shalt  }
0x83: {  	_ =	shalt  }
0x84: {  	_ =	shalt  }
0x85: {  	_ =	shalt  }
0x86: {  	_ =	shalt  }
0x87: {  	_ =	shalt  }
.Lfunc_end0:
.L_simem_size_0:
called_computation_lowered:
.L_overlay_start_0:
0x88: {  	s0 =	sld [smem:$0x3FD9]  }
0x89: {  	s1 =	sld [smem:$0x3FFE];
	_ =	sdelay $0x3  }
0x8a: {  	s0 =	sadd.s32 s1, s0  }
0x8b: {  	[smem:$0x3FC6] =	sst s0  }
0x8c: {  	_ = 	snop  }
0x8d: {  	s0 =	sld [smem:$0x3FD0];
	(tm) =	ssettm $0x1  }
0x8e: {  	s16 =	sld [smem:$0x3FFB];
	_ =	sdelay $0x3  }
0x8f: {  	_ =	strace s16  }
0x90: {  	s1 =	sld [smem:$0x3FFC];
	_ =	sdelay $0x3  }
0x91: {  	_ =	strace s1  }
0x92: {  	s1 =	sld [smem:$0x3FFD];
	_ =	sdelay $0x3  }
0x93: {  	_ =	strace s1  }
0x94: {  	_ =	strace $0x8FFFFFFF  }
0x95: {  	s17 =	sld [smem:$0x3FDB];
	_ =	sdelay $0x1  }
0x96: {  	s2 =	simm.s32 $_scs_section_size  }
0x97: {  	s3 =	simm.s32 $_size__tile_overlayer_lowered;
	s4 =	simm.s32 $_tile_overlayer_lowered  }
0x98: {  	s20 =	simm.s32 $0x1BFF;
	s19 =	sshll.u32 s4, $0x1;
	s1 =	sadd.s32 s2, s17  }
0x99: {  	s5 =	simm.s32 $0x0;
	s18 =	sshll.u32 s3, $0x1;
	s3 =	sadd.s32 s19, s1  }
0x9a: {  	[timem:s5], [sflag:s20] =	dma.local [hbm:s3], s18  }
0x9b: {  	_ =	swait.ge [sflag:s20], s18  }
0x9c: {  	s2 =	ssub.s32 $0x0, s18;
	[sflag:s20] =	ssyncset.done $0x0  }
0x9d: {  	[sflag:s20] =	ssyncadd.s32 s2;
	_ =	sdelay $0x1  }
0x9e: {  	s21 =	simm.s32 $0x1B8B  }
0x9f: {  	_ =	swait.ge [sflag:s21], $0x1  }
0xa0: {  	[sflag:s21] =	ssyncset.done $0x0  }
0xa1: {  	s23 =	simm.s32 $0x1B8E;
	s22 =	sld [smem:$0x3FFE];
	[sflag:s21] =	ssyncadd.s32 $0xFFFFFFFF  }
0xa2: {  	s24 =	simm.s32 $execute0_lowered;
	[smem:$0x3FD2] =	sst s23  }
0xa3: {  	s3 =	sshll.u32 s24, $0x1;
	_ =	strace $0x80000046;
	[dreg:$0x1] =	wrdreg $0xFFFFFFFF  }
0xa4: {  	s25 =	simm.s32 $_size_execute0_lowered;
	s1 =	sadd.s32 s1, s3;
	[dreg:$0x0] =	wrdreg $0x0  }
0xa5: {  	s3 =	sshll.u32 s25, $0x1;
	[dreg:$0x2] =	wrdreg s1  }
0xa6: {  	[dreg:$0x3] =	wrdreg s3  }
0xa7: {  	[dreg:$0x4] =	wrdreg $0xC0  }
0xa8: {  	_ =	task [dreg:s5], $0x5FFFF  }
0xa9: {  	[dreg:$0x1] =	wrdreg $0xFFFFFFFF  }
0xaa: {  	[dreg:$0x0] =	wrdreg $0x60  }
0xab: {  	[dreg:$0x2] =	wrdreg s22  }
0xac: {  	[dreg:$0x3] =	wrdreg s0  }
0xad: {  	[dreg:$0x4] =	wrdreg $0x9  }
0xae: {  	_ =	task.clear_ibuf [dreg:s5], $0x5FFFF;
	_ =	strace $0x90000046  }
0xaf: {  	s26 =	simm.s32 $0x9;
	_ =	strace $0x80000048  }
0xb0: {  	_ =	swait.ge [sflag:s26], $0x1  }
0xb1: {  	[sflag:s26] =	ssyncadd.s32 $0xFFFFFFFF  }
0xb2: {  	_ =	strace $0x90000048  }
0xb3: {  	_ =	sfence  }
0xb4: {  	s28 =	sld [smem:$0x0];
	_ =	sdelay $0x1  }
0xb5: {  	s29 =	srdreg.scid  }
0xb6: {  	s30 =	sshll.u32 s29, $0xD;
	s31 =	sshrl.u32 s29, $0x2  }
0xb7: {  	s2 =	sand.u32 $0x4000, s30;
	s1 =	sand.u32 $0x1, s29;
	s0 =	sadd.s32 s31, s28  }
0xb8: {  	s1 =	sor.u32 s2, s1;
	s0 =	sshll.u32 s0, $0x11  }
0xb9: {  	s0 =	sor.u32 s0, s1  }
0xba: {  	s0 =	sadd.s32 $0x8F2B, s0  }
0xbb: {  	[sflag:s0] =	ssyncadd.remote.s32 $0x1  }
0xbc: {  	_ =	sfence.sel $0xFFFF  }
0xbd: {  	[dreg:$0x0] =	wrdreg $0xFFFFFFFF;
	(pc) =	sbr.abs _section_cstart, $3  }
0xbe: {  	[dreg:$0x1] =	wrdreg $0xFFFFFFFF  }
0xbf: {  	_ =	task.clear_ibuf [dreg:s5], $0x2FFFF;
	_ =	strace $0x9FFFFFFF  }
0xc0: {  	(tm) =	ssettm $0x7FFFFFFF  }
0xc1: {  	_ =	shalt  }
tec
execute0_lowered:
.L_overlay_start_1:
0x0: {  	(tag) =	ssettag $0x1  }
0x1: {  	s0 =	stileid.u32  }
0x2: {  	s1 =	sshll.u32 s0, $0x9;
	s2 =	sshrl.u32 s0, $0x1  }
0x3: {  	s4 =	sand.u32 $0x200, s1;
	s23 =	sshll.u32 s2, $0xA  }
0x4: {  	s3 =	rddreg [dreg:$0x0];
	s6 =	sor.u32 s4, s23  }
0x5: {  	s5 =	rddreg [dreg:$0x1];
	s7 =	simm.s32 $0x0;
	s6 =	sshrl.u32 s6, $0x3  }
0x6: {  	s24 =	simm.s32 $0x1;
	[smem:$0x7FF] =	sst s7;
	s6 =	sadd.s32 s6, s3  }
0x7: {  	s1 =	rddreg [dreg:$0x2];
	_ =	strace $0x80000047;
	s6 =	sadd.s32 $0x600, s6  }
0x8: {  	[tilespmem:s7], [sflag:$0x1] =	stream.linear.gather [hbm4b:s6+s7], $0x200, $0x38;
	[tilespmem:$0x8200] =	vst v63  }
0x9: {  	_ =	swait.ge [sflag:s24], $0x200  }
0xa: {  	[sflag:s24] =	ssyncset.done $0x0  }
0xb: {  	s25 =	simm.s32 $0x80;
	s8 =	simm.s32 $0x200;
	[sflag:s24] =	ssyncadd.s32 $0xFFFFFE00  }
0xc: {  	[tilespmem:s8], [sflag:$0x2] =	stream.indirect.gather [hbm4b:s5+s25], $0x40, s7, s25, $0xb8;
	[tilespmem:$0x8200] =	vst v63  }
0xd: {  	s9 =	simm.s32 $0x2200;
	s10 =	simm.s32 $0x100  }
0xe: {  	[tilespmem:s9], [sflag:$0x2] =	stream.indirect.gather [hbm4b:s5+s25], $0x40, s25, s25, $0xb8;
	[tilespmem:$0x8200] =	vst v63  }
0xf: {  	s11 =	simm.s32 $0x4200;
	s26 =	simm.s32 $0x180;
	s12 =	simm.s32 $0x6200  }
0x10: {  	[tilespmem:s11], [sflag:$0x2] =	stream.indirect.gather [hbm4b:s5+s25], $0x40, s10, s25, $0xb8;
	[tilespmem:$0x8200] =	vst v63  }
0x11: {  	s28 =	simm.s32 $0x2;
	s2 =	sshll.u32 s2, $0xD;
	s4 =	sshll.u32 s4, $0x3  }
0x12: {  	[tilespmem:s12], [sflag:$0x2] =	stream.indirect.gather [hbm4b:s5+s25], $0x40, s26, s25, $0xb8;
	[tilespmem:$0x8200] =	vst v63  }
0x13: {  	s2 =	sor.u32 s2, s4;
	_ =	swait.ge [sflag:s28], $0x2000  }
0x14: {  	s2 =	sadd.s32 s2, s3;
	[sflag:s28] =	ssyncset.done $0x0  }
0x15: {  	s3 =	sadd.s32 $0xA00, s2;
	[sflag:s28] =	ssyncadd.s32 $0xFFFFE000  }
0x16: {  	[hbm4b:s3+s7] =	stream.linear.scatter [tilespmem:s8], [sflag:$0x3], $0x2000, $0x38;
	[tilespmem:$0x8200] =	vst v63  }
0x17: {  	_ =	swait.ge [sflag:s28], $0x2000  }
0x18: {  	[sflag:s28] =	ssyncset.done $0x0  }
0x19: {  	s29 =	sadd.s32 $0xE00, s2;
	[sflag:s28] =	ssyncadd.s32 $0xFFFFE000  }
0x1a: {  	[hbm4b:s29+s7] =	stream.linear.scatter [tilespmem:s9], [sflag:$0x3], $0x2000, $0x38;
	[tilespmem:$0x8200] =	vst v63  }
0x1b: {  	_ =	swait.ge [sflag:s28], $0x2000  }
0x1c: {  	[sflag:s28] =	ssyncset.done $0x0  }
0x1d: {  	s30 =	sadd.s32 $0x1200, s2;
	[sflag:s28] =	ssyncadd.s32 $0xFFFFE000  }
0x1e: {  	[hbm4b:s30+s7] =	stream.linear.scatter [tilespmem:s11], [sflag:$0x3], $0x2000, $0x38;
	[tilespmem:$0x8200] =	vst v63  }
0x1f: {  	_ =	swait.ge [sflag:s28], $0x2000  }
0x20: {  	[sflag:s28] =	ssyncset.done $0x0  }
0x21: {  	s31 =	simm.s32 $0x3;
	s2 =	sadd.s32 $0x1600, s2;
	[sflag:s28] =	ssyncadd.s32 $0xFFFFE000  }
0x22: {  	[hbm4b:s2+s7] =	stream.linear.scatter [tilespmem:s12], [sflag:$0x3], $0x2000, $0x38;
	[tilespmem:$0x8200] =	vst v63  }
0x23: {  	_ =	swait.ge [sflag:s31], $0x2000  }
0x24: {  	[sflag:s31] =	ssyncset.done $0x0  }
0x25: {  	[sflag:s31] =	ssyncadd.s32 $0xFFFFE000  }
0x26: {  	_ =	swait.ge [sflag:s31], $0x2000  }
0x27: {  	[sflag:s31] =	ssyncset.done $0x0  }
0x28: {  	[sflag:s31] =	ssyncadd.s32 $0xFFFFE000  }
0x29: {  	_ =	swait.ge [sflag:s31], $0x2000  }
0x2a: {  	[sflag:s31] =	ssyncset.done $0x0  }
0x2b: {  	[sflag:s31] =	ssyncadd.s32 $0xFFFFE000  }
0x2c: {  	_ =	swait.ge [sflag:s31], $0x2000  }
0x2d: {  	[sflag:s31] =	ssyncset.done $0x0  }
0x2e: {  	[sflag:s31] =	ssyncadd.s32 $0xFFFFE000  }
0x2f: {  	_ =	sfence.sel $0x180000  }
0x30: {  	[bflag:$0x0] =	sbarrier.arrive $0xFFFF  }
0x31: {  	p0 =	sne.s32 s0, $0x0;
	_ =	strace $0x90000047  }
0x32: {  	s0 =	sadd.s32 @!p0 $0x100000, s1;
	[bflag:$0x2] =	sbarrier.arrive $0xFFFF  }
0x33: {  	[sflag:s0] =	ssyncadd.tile.s32 @!p0 $0x1;
	_ =	shalt  }
.Lfunc_end2:
_tile_overlayer_lowered:
.L_overlay_start_2:
0x34: {  	(tag) =	ssettag $0x2  }
0x35: {  	s0 =	rddreg [dreg:$0x0];
	s2 =	stileid.u32  }
0x36: {  	s1 =	rddreg [dreg:$0x1];
	p0 =	sne.s32 s2, $0x0  }
0x37: {  	s3 =	rddreg [dreg:$0x2];
	[bflag:$0x3] =	sbarrier.arrive $0xFFFF;
	s2 =	simm.s32 @!p0 $0x1C04  }
0x38: {  	[timem:s3], [sflag:s2] =	dma.local @!p0 [hbm:s0], s1  }
0x39: {  	s0 =	simm.s32 @!p0 $0x4  }
0x3a: {  	_ =	swait.ge @!p0 [sflag:s0], s1  }
0x3b: {  	s1 =	ssub.s32 @!p0 $0x0, s1;
	[sflag:s0] =	ssyncset.done @!p0 $0x0  }
0x3c: {  	[sflag:s0] =	ssyncadd.s32 @!p0 s1  }
0x3d: {  	[bflag:$0x3] =	sbarrier.arrive $0xFFFF  }
0x3e: {  	_ =	shalt  }

</sc_bundles>
